<compile_context>
chip_gen: v7x
topology: tpu7x:2x2x1
jax: 0.10.2.dev20260603
libtpu: 0.0.44.dev20260713+nightly
codegen_flags: <defaults>
</compile_context>

<pallas_src>
import dataclasses

import jax
import jax.numpy as jnp
from jax import lax
from jax.experimental import pallas as pl
from jax.experimental.pallas import tpu as pltpu
from jax.experimental.pallas import tpu_sc as plsc

_N = 10000
_E = 320000
_D = 128
_H = 128
_A = 16

_NC = 2
_NS = 16
_NW = _NC * _NS
_EPT = _E // _NW
_C = 125
_NCH = _EPT // _C
_G = 20
_NG = _NCH // _G
_SLAB = 624
_REM = _N - _NS * _SLAB

_mesh = plsc.VectorSubcoreMesh(core_axis_name="c", subcore_axis_name="s")

_sc_params = pltpu.CompilerParams()
if "needs_layout_passes" in pltpu.CompilerParams.__dataclass_fields__:
    _sc_params = dataclasses.replace(_sc_params, needs_layout_passes=False)


def _deg_body(dst_hbm, out_hbm, didx_v, deg_v):
    cid = lax.axis_index("c")
    sid = lax.axis_index("s")
    wid = cid * _NS + sid
    zeros = jnp.zeros((16,), jnp.float32)

    @pl.loop(0, _N, step=16)
    def _(i):
        deg_v[pl.ds(i, 16)] = zeros

    pltpu.sync_copy(dst_hbm.at[pl.ds(wid * _EPT, _EPT)], didx_v)
    ones = jnp.ones((16,), jnp.float32)

    @pl.loop(0, _EPT, step=16)
    def _(i):
        idx = didx_v[pl.ds(i, 16)]
        plsc.addupdate_scatter(deg_v, [idx], ones)

    pltpu.sync_copy(deg_v, out_hbm.at[wid])


@jax.jit
def _deg_call(dst1):
    return pl.kernel(
        _deg_body,
        out_type=jax.ShapeDtypeStruct((_NW, _N), jnp.float32),
        mesh=_mesh,
        compiler_params=_sc_params,
        scratch_types=[
            pltpu.VMEM((_EPT,), jnp.int32),
            pltpu.VMEM((_N,), jnp.float32),
        ],
    )(dst1)


def _edge_body(y_hbm, src_hbm, dst_hbm, out_hbm, sidx_v, didx_v, rows_v,
               rows1_v, agg_sh, sem, sem1):
    cid = lax.axis_index("c")
    sid = lax.axis_index("s")
    wid = cid * _NS + sid
    zeros = jnp.zeros((16,), jnp.float32)

    @pl.loop(0, _C)
    def _(r):
        @pl.loop(0, _D, step=16)
        def _(c0):
            rows_v[r, pl.ds(c0, 16)] = zeros

    base = pl.multiple_of(sid * _SLAB, 8)
    for m in range(_SLAB // _C):
        pltpu.sync_copy(rows_v, agg_sh.at[pl.ds(base + m * _C, _C)])
    pltpu.sync_copy(rows_v.at[pl.ds(0, _SLAB % _C)],
                    agg_sh.at[pl.ds(base + (_SLAB // _C) * _C, _SLAB % _C)])

    @pl.when(sid == 0)
    def _():
        pltpu.sync_copy(rows_v.at[pl.ds(0, _REM)],
                        agg_sh.at[pl.ds(_NS * _SLAB, _REM)])

    plsc.subcore_barrier()

    for g in range(_NG):
        pltpu.sync_copy(src_hbm.at[wid, g], sidx_v)
        pltpu.sync_copy(dst_hbm.at[wid, g], didx_v)
        pltpu.async_copy(y_hbm.at[sidx_v.at[0]], rows_v, sem)

        @pl.loop(0, (_G - 2) // 2 if _G % 2 == 0 else (_G - 1) // 2)
        def _(t):
            j0 = 2 * t
            pltpu.async_copy(y_hbm.at[sidx_v.at[j0 + 1]], rows1_v, sem1)
            pltpu.make_async_copy(y_hbm.at[sidx_v.at[j0]], rows_v,
                                  sem).wait()
            pltpu.sync_copy(rows_v, agg_sh.at[didx_v.at[j0]], add=True)
            pltpu.async_copy(y_hbm.at[sidx_v.at[j0 + 2]], rows_v, sem)
            pltpu.make_async_copy(y_hbm.at[sidx_v.at[j0 + 1]], rows1_v,
                                  sem1).wait()
            pltpu.sync_copy(rows1_v, agg_sh.at[didx_v.at[j0 + 1]], add=True)

        if _G % 2 == 0:
            pltpu.async_copy(y_hbm.at[sidx_v.at[_G - 1]], rows1_v, sem1)
            pltpu.make_async_copy(y_hbm.at[sidx_v.at[_G - 2]], rows_v,
                                  sem).wait()
            pltpu.sync_copy(rows_v, agg_sh.at[didx_v.at[_G - 2]], add=True)
            pltpu.make_async_copy(y_hbm.at[sidx_v.at[_G - 1]], rows1_v,
                                  sem1).wait()
            pltpu.sync_copy(rows1_v, agg_sh.at[didx_v.at[_G - 1]], add=True)
        else:
            pltpu.make_async_copy(y_hbm.at[sidx_v.at[_G - 1]], rows_v,
                                  sem).wait()
            pltpu.sync_copy(rows_v, agg_sh.at[didx_v.at[_G - 1]], add=True)

    plsc.subcore_barrier()
    pltpu.sync_copy(agg_sh.at[pl.ds(base, _SLAB)],
                    out_hbm.at[cid, pl.ds(base, _SLAB)])

    @pl.when(sid == 0)
    def _():
        pltpu.sync_copy(agg_sh.at[pl.ds(_NS * _SLAB, _REM)],
                        out_hbm.at[cid, pl.ds(_NS * _SLAB, _REM)])


@jax.jit
def _edge_call(y, src3, dst3):
    return pl.kernel(
        _edge_body,
        out_type=jax.ShapeDtypeStruct((_NC, _N, _D), jnp.float32),
        mesh=_mesh,
        scratch_types=[
            pltpu.VMEM((_G, _C), jnp.int32),
            pltpu.VMEM((_G, _C), jnp.int32),
            pltpu.VMEM((_C, _D), jnp.float32),
            pltpu.VMEM((_C, _D), jnp.float32),
            pltpu.VMEM_SHARED((_N, _D), jnp.float32),
            pltpu.SemaphoreType.DMA,
            pltpu.SemaphoreType.DMA,
        ],
    )(y, src3, dst3)


def _pre_body(degp_ref, x_ref, w_ref, y_ref, dis_ref):
    deg = jnp.sum(degp_ref[...], axis=0, keepdims=True) + 1.0
    dis8 = jnp.broadcast_to(lax.rsqrt(deg), (8, deg.shape[1]))
    dis_col = jnp.transpose(dis8)[:, :1]
    dis_ref[...] = dis_col
    y_ref[...] = jnp.dot(x_ref[...], w_ref[...],
                         preferred_element_type=jnp.float32) * dis_col


@jax.jit
def _pre_call(deg_part, x, w):
    return pl.pallas_call(
        _pre_body,
        out_shape=[
            jax.ShapeDtypeStruct((_N, _H), jnp.float32),
            jax.ShapeDtypeStruct((_N, 1), jnp.float32),
        ],
    )(deg_part, x, w)


def _sigmoid(u):
    return 1.0 / (1.0 + jnp.exp(-u))


def _post_body(aggp_ref, y_ref, dis_ref, h_ref, wih_ref, whh_ref, bih_ref,
               bhh_ref, wfc_ref, bgcn_ref, bfc_ref, q_ref, h_out_ref):
    aggp = aggp_ref[...]
    y = y_ref[...]
    agg = aggp[0] + aggp[1] + y
    x2 = jnp.maximum(agg * dis_ref[...] + bgcn_ref[...], 0.0)
    h = h_ref[...]
    gi = jnp.dot(x2, wih_ref[...], preferred_element_type=jnp.float32) \
        + bih_ref[...]
    gh = jnp.dot(h, whh_ref[...], preferred_element_type=jnp.float32) \
        + bhh_ref[...]
    r = _sigmoid(gi[:, :_H] + gh[:, :_H])
    z = _sigmoid(gi[:, _H:2 * _H] + gh[:, _H:2 * _H])
    n = jnp.tanh(gi[:, 2 * _H:] + r * gh[:, 2 * _H:])
    hn = (1.0 - z) * n + z * h
    h_out_ref[...] = hn
    q_ref[...] = jnp.dot(hn, wfc_ref[...],
                         preferred_element_type=jnp.float32) + bfc_ref[...]


@jax.jit
def _post_call(agg_part, y, dis_col, h_in, wih_t, whh_t, bih, bhh, wfc_t,
               bgcn, bfc):
    blk = 1000
    grid = (_N // blk,)
    return pl.pallas_call(
        _post_body,
        grid=grid,
        in_specs=[
            pl.BlockSpec((_NC, blk, _D), lambda i: (0, i, 0)),
            pl.BlockSpec((blk, _H), lambda i: (i, 0)),
            pl.BlockSpec((blk, 1), lambda i: (i, 0)),
            pl.BlockSpec((blk, _H), lambda i: (i, 0)),
            pl.BlockSpec((_H, 3 * _H), lambda i: (0, 0)),
            pl.BlockSpec((_H, 3 * _H), lambda i: (0, 0)),
            pl.BlockSpec((1, 3 * _H), lambda i: (0, 0)),
            pl.BlockSpec((1, 3 * _H), lambda i: (0, 0)),
            pl.BlockSpec((_H, _A), lambda i: (0, 0)),
            pl.BlockSpec((1, _D), lambda i: (0, 0)),
            pl.BlockSpec((1, _A), lambda i: (0, 0)),
        ],
        out_specs=[
            pl.BlockSpec((blk, _A), lambda i: (i, 0)),
            pl.BlockSpec((blk, _H), lambda i: (i, 0)),
        ],
        out_shape=[
            jax.ShapeDtypeStruct((_N, _A), jnp.float32),
            jax.ShapeDtypeStruct((_N, _H), jnp.float32),
        ],
    )(agg_part, y, dis_col, h_in, wih_t, whh_t, bih, bhh, wfc_t, bgcn, bfc)


def kernel(inputs, hidden_state, edge_index, W_gcn, b_gcn, W_ih, W_hh, b_ih,
           b_hh, W_fc2, b_fc2):
    src3 = edge_index[0].reshape(_NW, _NG, _G, _C)
    dst1 = edge_index[1]
    dst3 = dst1.reshape(_NW, _NG, _G, _C)

    deg_part = _deg_call(dst1)
    y, dis_col = _pre_call(deg_part, inputs, W_gcn)
    agg_part = _edge_call(y, src3, dst3)
    q, h = _post_call(
        agg_part, y, dis_col, hidden_state.reshape(_N, _H),
        W_ih.T, W_hh.T, b_ih.reshape(1, -1), b_hh.reshape(1, -1),
        W_fc2.T, b_gcn.reshape(1, -1), b_fc2.reshape(1, -1))
    return q, h

# --- scband reference (transcript-rebuilt; emitter-appended) ---
"""Pipeline reference for scband-gnnagent-31172872634844 (READ-ONLY COPY).

The authoritative reference and input builder live on the scoring server;
editing this copy changes nothing except your own understanding.
"""

import jax, jax.numpy as jnp
import numpy as np

N = 10000      # n_agents / n_nodes
E = 320000     # random edges (self-loops appended inside conv)
D = 128        # input_shape (d_feat)
H = 128        # hidden_dim
A = 16         # n_actions
N_PASSES = 1


def setup_inputs(seed: int = 0) -> dict:
    key = jax.random.key(seed)
    ks = jax.random.split(key, 12)
    inputs = jax.random.normal(ks[0], (N, D), dtype=jnp.float32)
    hidden_state = jax.random.normal(ks[1], (1, N, H), dtype=jnp.float32)
    edge_index = jax.random.randint(ks[2], (2, E), 0, N, dtype=jnp.int32)
    sD = 1.0 / np.sqrt(D)
    sH = 1.0 / np.sqrt(H)
    W_gcn = jax.random.normal(ks[3], (D, H), dtype=jnp.float32) * sD
    b_gcn = jax.random.normal(ks[4], (H,), dtype=jnp.float32) * 0.01
    W_ih = jax.random.normal(ks[5], (3 * H, H), dtype=jnp.float32) * sH
    W_hh = jax.random.normal(ks[6], (3 * H, H), dtype=jnp.float32) * sH
    b_ih = jax.random.normal(ks[7], (3 * H,), dtype=jnp.float32) * 0.01
    b_hh = jax.random.normal(ks[8], (3 * H,), dtype=jnp.float32) * 0.01
    W_fc2 = jax.random.normal(ks[9], (A, H), dtype=jnp.float32) * sH
    b_fc2 = jax.random.normal(ks[10], (A,), dtype=jnp.float32) * 0.01
    return {"inputs": inputs, "hidden_state": hidden_state, "edge_index": edge_index,
            "W_gcn": W_gcn, "b_gcn": b_gcn, "W_ih": W_ih, "W_hh": W_hh,
            "b_ih": b_ih, "b_hh": b_hh, "W_fc2": W_fc2, "b_fc2": b_fc2}


def _gcn_conv(x, edge_index, W, b):
    # GCNConv with add_self_loops=True and symmetric normalization
    loop = jnp.arange(N, dtype=edge_index.dtype)
    src = jnp.concatenate([edge_index[0], loop])
    dst = jnp.concatenate([edge_index[1], loop])
    deg = jnp.zeros((N,), dtype=x.dtype).at[dst].add(1.0)
    deg_inv_sqrt = jnp.where(deg > 0, deg ** -0.5, 0.0)
    norm = deg_inv_sqrt[src] * deg_inv_sqrt[dst]
    xw = x @ W
    msg = jnp.take(xw, src, axis=0) * norm[:, None]
    out = jnp.zeros((N, W.shape[1]), dtype=x.dtype).at[dst].add(msg)
    return out + b


def _gru_cell(x, h, W_ih, W_hh, b_ih, b_hh):
    gi = x @ W_ih.T + b_ih
    gh = h @ W_hh.T + b_hh
    i_r, i_z, i_n = jnp.split(gi, 3, axis=1)
    h_r, h_z, h_n = jnp.split(gh, 3, axis=1)
    r = jax.nn.sigmoid(i_r + h_r)
    z = jax.nn.sigmoid(i_z + h_z)
    n = jnp.tanh(i_n + r * h_n)
    return (1.0 - z) * n + z * h


def reference(inputs, hidden_state, edge_index, W_gcn, b_gcn, W_ih, W_hh, b_ih, b_hh, W_fc2, b_fc2):
    h_in = hidden_state.reshape(-1, H)
    x = inputs
    for _ in range(N_PASSES):
        x = jax.nn.relu(_gcn_conv(x, edge_index, W_gcn, b_gcn))
    h = _gru_cell(x, h_in, W_ih, W_hh, b_ih, b_hh)
    q = h @ W_fc2.T + b_fc2
    return (q, h)

if __name__ == "__main__":
    import jax
    _d = setup_inputs()
    print(jax.jit(kernel)(*tuple(_d.values())))

</pallas_src>

<mosaic_0001>
#map = affine_map<(d0, d1) -> (0)>
#map1 = affine_map<(d0, d1) -> (0, 0)>
module attributes {stable_mosaic.version = 14 : i64} {
  func.func @_deg_body(%arg0: i32, %arg1: i32, %arg2: memref<320000xi32, #tpu.memory_space<hbm>>, %arg3: memref<32x10000xf32, #tpu.memory_space<hbm>>, %arg4: memref<10000xi32, #tpu.memory_space<vmem>>, %arg5: memref<10000xf32, #tpu.memory_space<vmem>>) attributes {dimension_semantics = [#tpu.dimension_semantics<core_parallel>, #tpu.dimension_semantics<subcore_parallel>], iteration_bounds = array<i64: 2, 16>, scalar_prefetch = 0 : i64, scratch_operands = 2 : i64, tpu.core_type = #tpu.core_type<sc_vector_subcore>, window_params = [{transform_indices = #map}, {transform_indices = #map1}]} {
    %mul3A = arith.constant 16 : i32
    %mul3A_0 = arith.muli %arg0, %mul3A : i32
    %add3A = arith.addi %mul3A_0, %arg1 : i32
    %broadcast_in_dim3A = arith.constant 0.000000e+00 : f32
    %broadcast_in_dim3A_1 = vector.broadcast %broadcast_in_dim3A : f32 to vector<16xf32>
    %scan3A = arith.constant 0 : i32
    %scan3A_2 = arith.constant 625 : i32
    %scan3A_3 = arith.addi %scan3A, %scan3A_2 : i32
    %scan3A_4 = arith.constant 1 : i32
    scf.for %scan3A_15 = %scan3A to %scan3A_3 step %scan3A_4  : i32 {
      %mul3A_16 = arith.constant 16 : i32
      %mul3A_17 = arith.muli %scan3A_15, %mul3A_16 : i32
      %add3A_18 = arith.constant 0 : i32
      %add3A_19 = arith.addi %add3A_18, %mul3A_17 : i32
      %swap3A = arith.index_cast %add3A_19 : i32 to index
      %swap3A_20 = tpu.vector_load %arg5[%swap3A] {strides = array<i32>} : memref<10000xf32, #tpu.memory_space<vmem>>, vector<16xf32>,
      tpu.vector_store %arg5[%swap3A], %broadcast_in_dim3A_1 {strides = array<i32>} : memref<10000xf32, #tpu.memory_space<vmem>>, vector<16xf32>,
    }
    %scan3A_5 = arith.constant 625 : i32
    %mul3A_6 = arith.constant 10000 : i32
    %mul3A_7 = arith.muli %add3A, %mul3A_6 : i32
    "tpu.region"() ({
      %run_scoped3A = tpu.sem_alloc : memref<!tpu.dma_semaphore, #tpu.memory_space<semaphore_mem>>
      %dma_start3A = tpu.memref_slice %arg2[%mul3A_7] : memref<320000xi32, #tpu.memory_space<hbm>> -> memref<10000xi32, #tpu.memory_space<hbm>>
      %dma_start3A_15 = tpu.memref_slice %arg2[%mul3A_7] : memref<320000xi32, #tpu.memory_space<hbm>> -> memref<10000xi32, #tpu.memory_space<hbm>>
      tpu.enqueue_dma source(%dma_start3A_15 : memref<10000xi32, #tpu.memory_space<hbm>>) target(%arg4 : memref<10000xi32, #tpu.memory_space<vmem>>) target_semaphore(%run_scoped3A : memref<!tpu.dma_semaphore, #tpu.memory_space<semaphore_mem>>)
      %dma_wait3A = tpu.memref_slice %arg2[%mul3A_7] : memref<320000xi32, #tpu.memory_space<hbm>> -> memref<10000xi32, #tpu.memory_space<hbm>>
      %dma_wait3A_16 = tpu.memref_slice %arg2[%mul3A_7] : memref<320000xi32, #tpu.memory_space<hbm>> -> memref<10000xi32, #tpu.memory_space<hbm>>
      tpu.wait_dma2 semaphore(%run_scoped3A : memref<!tpu.dma_semaphore, #tpu.memory_space<semaphore_mem>>) src(%dma_wait3A_16 : memref<10000xi32, #tpu.memory_space<hbm>>) dst(%arg4 : memref<10000xi32, #tpu.memory_space<vmem>>)
      tpu.yield
    }) : () -> ()
    %broadcast_in_dim3A_8 = arith.constant 1.000000e+00 : f32
    %broadcast_in_dim3A_9 = vector.broadcast %broadcast_in_dim3A_8 : f32 to vector<16xf32>
    %scan3A_10 = arith.constant 0 : i32
    %scan3A_11 = arith.constant 625 : i32
    %scan3A_12 = arith.addi %scan3A_10, %scan3A_11 : i32
    %scan3A_13 = arith.constant 1 : i32
    scf.for %scan3A_15 = %scan3A_10 to %scan3A_12 step %scan3A_13  : i32 {
      %mul3A_16 = arith.constant 16 : i32
      %mul3A_17 = arith.muli %scan3A_15, %mul3A_16 : i32
      %add3A_18 = arith.constant 0 : i32
      %add3A_19 = arith.addi %add3A_18, %mul3A_17 : i32
      %get3A = arith.index_cast %add3A_19 : i32 to index
      %get3A_20 = tpu.vector_load %arg4[%get3A] {strides = array<i32>} : memref<10000xi32, #tpu.memory_space<vmem>>, vector<16xi32>,
      tpu.vector_store_idx %arg5[%get3A_20], %broadcast_in_dim3A_9 {add = true} : memref<10000xf32, #tpu.memory_space<vmem>>[vector<16xi32>], vector<16xf32>,
    }
    %scan3A_14 = arith.constant 625 : i32
    "tpu.region"() ({
      %run_scoped3A = tpu.sem_alloc : memref<!tpu.dma_semaphore, #tpu.memory_space<semaphore_mem>>
      %dma_start3A = arith.constant 0 : i32
      %dma_start3A_15 = tpu.memref_slice %arg3[%add3A, %dma_start3A] : memref<32x10000xf32, #tpu.memory_space<hbm>> -> memref<1x10000xf32, #tpu.memory_space<hbm>>
      %dma_start3A_16 = tpu.memref_squeeze %dma_start3A_15 : memref<1x10000xf32, #tpu.memory_space<hbm>> -> memref<10000xf32, #tpu.memory_space<hbm>>
      %dma_start3A_17 = arith.constant 0 : i32
      %dma_start3A_18 = tpu.memref_slice %arg3[%add3A, %dma_start3A_17] : memref<32x10000xf32, #tpu.memory_space<hbm>> -> memref<1x10000xf32, #tpu.memory_space<hbm>>
      %dma_start3A_19 = tpu.memref_squeeze %dma_start3A_18 : memref<1x10000xf32, #tpu.memory_space<hbm>> -> memref<10000xf32, #tpu.memory_space<hbm>>
      tpu.enqueue_dma source(%arg5 : memref<10000xf32, #tpu.memory_space<vmem>>) target(%dma_start3A_19 : memref<10000xf32, #tpu.memory_space<hbm>>) target_semaphore(%run_scoped3A : memref<!tpu.dma_semaphore, #tpu.memory_space<semaphore_mem>>)
      %dma_wait3A = arith.constant 0 : i32
      %dma_wait3A_20 = tpu.memref_slice %arg3[%add3A, %dma_wait3A] : memref<32x10000xf32, #tpu.memory_space<hbm>> -> memref<1x10000xf32, #tpu.memory_space<hbm>>
      %dma_wait3A_21 = tpu.memref_squeeze %dma_wait3A_20 : memref<1x10000xf32, #tpu.memory_space<hbm>> -> memref<10000xf32, #tpu.memory_space<hbm>>
      %dma_wait3A_22 = arith.constant 0 : i32
      %dma_wait3A_23 = tpu.memref_slice %arg3[%add3A, %dma_wait3A_22] : memref<32x10000xf32, #tpu.memory_space<hbm>> -> memref<1x10000xf32, #tpu.memory_space<hbm>>
      %dma_wait3A_24 = tpu.memref_squeeze %dma_wait3A_23 : memref<1x10000xf32, #tpu.memory_space<hbm>> -> memref<10000xf32, #tpu.memory_space<hbm>>
      tpu.wait_dma2 semaphore(%run_scoped3A : memref<!tpu.dma_semaphore, #tpu.memory_space<semaphore_mem>>) src(%arg5 : memref<10000xf32, #tpu.memory_space<vmem>>) dst(%dma_wait3A_24 : memref<10000xf32, #tpu.memory_space<hbm>>)
      tpu.yield
    }) : () -> ()
    return
  }
}

</mosaic_0001>

<sc_bundles>
// kernel: _deg_call.3.cloned.1.call-start
scs
__scs_entry_jumppad:
0x0: {  	(pc) =	sbr.rel $0x88, $3  }
0x1: {  	(tag) =	ssettag $0x0;
	lr =	simm.s32 $0x1  }
0x2: {  	[smem:$0x3FA0] =	sst lr;
	_ =	strace $0xD0000000  }
0x3: {  	_ = 	snop  }
0x4: {  	_ = 	snop  }
0x5: {  	_ = 	snop  }
0x6: {  	_ = 	snop  }
0x7: {  	_ = 	snop  }
__scs_overlays_trampoline_lowered:
0x8: {  	[smem:$0x3FAF] =	sst s0  }
0x9: {  	[smem:$0x3FB0] =	sst s1  }
0xa: {  	[smem:$0x3FB1] =	sst s2  }
0xb: {  	[smem:$0x3FB2] =	sst s3  }
0xc: {  	[smem:$0x3FB3] =	sst s4  }
0xd: {  	[smem:$0x3FB4] =	sst s5  }
0xe: {  	[smem:$0x3FB5] =	sst s6  }
0xf: {  	[smem:$0x3FB6] =	sst s7  }
0x10: {  	[smem:$0x3FB7] =	sst s8  }
0x11: {  	[smem:$0x3FB8] =	sst s9;
	s0 =	simm.s32 @!p0 $0x0  }
0x12: {  	s1 =	sld [smem:$0x3F9E];
	s0 =	simm.s32 @p0 $0x1  }
0x13: {  	[smem:$0x3FB9] =	sst s0;
	s0 =	simm.s32 @!p1 $0x0  }
0x14: {  	s2 =	sld [smem:$0x3F9D];
	s0 =	simm.s32 @p1 $0x1  }
0x15: {  	[smem:$0x3FBA] =	sst s0;
	s0 =	simm.s32 @!p2 $0x0  }
0x16: {  	s3 =	sld [smem:$0x3FDB];
	s0 =	simm.s32 @p2 $0x1  }
0x17: {  	s4 =	simm.s32 $0x1BF5;
	[smem:$0x3FBC] =	sst s0  }
0x18: {  	s0 =	sld [smem:$0x3F9F];
	_ =	swait.ge [sflag:s4], $0x0  }
0x19: {  	s7 =	sld [smem:$0x3FA0]  }
0x1a: {  	s8 =	sadd.s32 $0xFFFFE003, lr  }
0x1b: {  	s9 =	sadd.s32 $0xFFFFFEF7, lr;
	s5 =	simm.s32 $0xFFFFFFFF;
	p2 =	slt.u32 s8, $0xFFFFF086  }
0x1c: {  	p1 =	slt.u32 s9, $0xF7A;
	s5 =	simm.s32 @!p2 $0x0  }
0x1d: {  	s5 =	simm.s32 @p1 $0x1;
	p0 =	seq.s32 s7, s2  }
0x1e: {  	s7 =	smul.u32 @!p0 $0xF7A, s2;
	p2 =	seq.s32 @!p0 s5, $0x0  }
0x1f: {  	s9 =	smul.u32 $0xF7A, s1;
	s8 =	simm.s32 @!p0 $0x1BF5;
	p2 =	por !p2, p0  }
0x20: {  	[sflag:s8] =	ssyncset.s32 @!p0 $0xFFFFF086;
	s6 =	sadd.s32 @!p0 s3, s7;
	s7 =	simm.s32 @!p0 $0x108  }
0x21: {  	s3 =	sadd.s32 s3, s9;
	s6 =	sadd.s32 @!p0 $0x88, s6;
	s7 =	simm.s32 @p2 $0x1082  }
0x22: {  	[simem:s7], [sflag:s8] =	dma.local @!p0 [hbm:s6], $0xF7A  }
0x23: {  	s9 =	sor.u32 $0xD0000000, s2;
	s6 =	simm.s32 $0x108;
	_ =	swait.ge @!p0 [sflag:s8], $0x0  }
0x24: {  	s3 =	sadd.s32 $0x88, s3;
	s6 =	simm.s32 @!p1 $0x1082;
	[sflag:s4] =	ssyncset.s32 $0xFFFFF086  }
0x25: {  	[simem:s6], [sflag:s4] =	dma.local [hbm:s3], $0xF7A  }
0x26: {  	[smem:$0x3FA0] =	sst s1;
	(tag) =	ssettag s2;
	_ =	strace s9  }
0x27: {  	s1 =	sld [smem:$0x3FB0]  }
0x28: {  	s2 =	sld [smem:$0x3FB1]  }
0x29: {  	s4 =	sld [smem:$0x3FB3]  }
0x2a: {  	p0 =	seq.s32 s5, $0x0;
	s5 =	sld [smem:$0x3FB4]  }
0x2b: {  	s6 =	sld [smem:$0x3FB5]  }
0x2c: {  	s7 =	sld [smem:$0x3FB6]  }
0x2d: {  	s3 =	simm.s32 $0x108;
	s8 =	sld [smem:$0x3FB7]  }
0x2e: {  	s3 =	simm.s32 @!p0 $0x1082;
	s9 =	sld [smem:$0x3FB8]  }
0x2f: {  	lr =	sadd.s32 s0, s3;
	s0 =	sld [smem:$0x3FAF]  }
0x30: {  	s3 =	sld [smem:$0x3FB2]  }
0x31: {  	[smem:$0x3FBB] =	sst s10  }
0x32: {  	s10 =	sld [smem:$0x3FB9];
	_ =	sdelay $0x3  }
0x33: {  	p0 =	seq.s32 s10, $0x1;
	s10 =	sld [smem:$0x3FBB];
	_ =	sdelay $0x3  }
0x34: {  	[smem:$0x3FBB] =	sst s10  }
0x35: {  	s10 =	sld [smem:$0x3FBA];
	_ =	sdelay $0x3  }
0x36: {  	p1 =	seq.s32 s10, $0x1;
	s10 =	sld [smem:$0x3FBB];
	_ =	sdelay $0x3  }
0x37: {  	[smem:$0x3FBB] =	sst s10  }
0x38: {  	s10 =	sld [smem:$0x3FBC]  }
0x39: {  	_ = 	snop;
	(pc) =	sbr.ind lr, $3  }
0x3a: {  	_ = 	snop  }
0x3b: {  	_ = 	snop  }
0x3c: {  	p2 =	seq.s32 s10, $0x1;
	s10 =	sld [smem:$0x3FBB]  }
0x3d: {  	_ =	shalt  }
0x3e: {  	_ =	shalt  }
0x3f: {  	_ =	shalt  }
0x40: {  	_ =	shalt  }
0x41: {  	_ =	shalt  }
0x42: {  	_ =	shalt  }
0x43: {  	_ =	shalt  }
0x44: {  	_ =	shalt  }
0x45: {  	_ =	shalt  }
0x46: {  	_ =	shalt  }
0x47: {  	_ =	shalt  }
0x48: {  	_ =	shalt  }
0x49: {  	_ =	shalt  }
0x4a: {  	_ =	shalt  }
0x4b: {  	_ =	shalt  }
0x4c: {  	_ =	shalt  }
0x4d: {  	_ =	shalt  }
0x4e: {  	_ =	shalt  }
0x4f: {  	_ =	shalt  }
0x50: {  	_ =	shalt  }
0x51: {  	_ =	shalt  }
0x52: {  	_ =	shalt  }
0x53: {  	_ =	shalt  }
0x54: {  	_ =	shalt  }
0x55: {  	_ =	shalt  }
0x56: {  	_ =	shalt  }
0x57: {  	_ =	shalt  }
0x58: {  	_ =	shalt  }
0x59: {  	_ =	shalt  }
0x5a: {  	_ =	shalt  }
0x5b: {  	_ =	shalt  }
0x5c: {  	_ =	shalt  }
0x5d: {  	_ =	shalt  }
0x5e: {  	_ =	shalt  }
0x5f: {  	_ =	shalt  }
0x60: {  	_ =	shalt  }
0x61: {  	_ =	shalt  }
0x62: {  	_ =	shalt  }
0x63: {  	_ =	shalt  }
0x64: {  	_ =	shalt  }
0x65: {  	_ =	shalt  }
0x66: {  	_ =	shalt  }
0x67: {  	_ =	shalt  }
0x68: {  	_ =	shalt  }
0x69: {  	_ =	shalt  }
0x6a: {  	_ =	shalt  }
0x6b: {  	_ =	shalt  }
0x6c: {  	_ =	shalt  }
0x6d: {  	_ =	shalt  }
0x6e: {  	_ =	shalt  }
0x6f: {  	_ =	shalt  }
0x70: {  	_ =	shalt  }
0x71: {  	_ =	shalt  }
0x72: {  	_ =	shalt  }
0x73: {  	_ =	shalt  }
0x74: {  	_ =	shalt  }
0x75: {  	_ =	shalt  }
0x76: {  	_ =	shalt  }
0x77: {  	_ =	shalt  }
0x78: {  	_ =	shalt  }
0x79: {  	_ =	shalt  }
0x7a: {  	_ =	shalt  }
0x7b: {  	_ =	shalt  }
0x7c: {  	_ =	shalt  }
0x7d: {  	_ =	shalt  }
0x7e: {  	_ =	shalt  }
0x7f: {  	_ =	shalt  }
0x80: {  	_ =	shalt  }
0x81: {  	_ =	shalt  }
0x82: {  	_ =	shalt  }
0x83: {  	_ =	shalt  }
0x84: {  	_ =	shalt  }
0x85: {  	_ =	shalt  }
0x86: {  	_ =	shalt  }
0x87: {  	_ =	shalt  }
.Lfunc_end0:
.L_simem_size_0:
called_computation_lowered:
.L_overlay_start_0:
0x88: {  	s2 =	sld [smem:$0x3FD9]  }
0x89: {  	s3 =	sld [smem:$0x3FFE];
	_ =	sdelay $0x1  }
0x8a: {  	s1 =	srdreg.scid  }
0x8b: {  	s0 =	sand.u32 $0x1, s1  }
0x8c: {  	s18 =	sshll.u32 s0, $0xA;
	s2 =	sadd.s32 s3, s2  }
0x8d: {  	s2 =	sadd.s32 s2, s18  }
0x8e: {  	[smem:$0x3FC7] =	sst s2  }
0x8f: {  	_ = 	snop  }
0x90: {  	s2 =	sld [smem:$0x3FC9]  }
0x91: {  	s19 =	sld [smem:$0x3FD0];
	(tm) =	ssettm $0x1  }
0x92: {  	s4 =	sld [smem:$0x3FFB];
	_ =	sdelay $0x3  }
0x93: {  	_ =	strace s4  }
0x94: {  	s4 =	sld [smem:$0x3FFC];
	_ =	sdelay $0x3  }
0x95: {  	_ =	strace s4  }
0x96: {  	s4 =	sld [smem:$0x3FFD];
	_ =	sdelay $0x3  }
0x97: {  	_ =	strace s4  }
0x98: {  	_ =	strace $0x8FFFFFFF  }
0x99: {  	s20 =	sld [smem:$0x3FDB];
	_ =	sdelay $0x1  }
0x9a: {  	s5 =	simm.s32 $_scs_section_size  }
0x9b: {  	s6 =	simm.s32 $_size__tile_overlayer_lowered;
	s7 =	simm.s32 $_tile_overlayer_lowered  }
0x9c: {  	s23 =	simm.s32 $0x1BFF;
	s22 =	sshll.u32 s7, $0x1;
	s4 =	sadd.s32 s5, s20  }
0x9d: {  	s8 =	simm.s32 $0x0;
	s21 =	sshll.u32 s6, $0x1;
	s6 =	sadd.s32 s22, s4  }
0x9e: {  	[timem:s8], [sflag:s23] =	dma.local [hbm:s6], s21  }
0x9f: {  	_ =	swait.ge [sflag:s23], s21  }
0xa0: {  	s5 =	ssub.s32 $0x0, s21;
	[sflag:s23] =	ssyncset.done $0x0  }
0xa1: {  	[sflag:s23] =	ssyncadd.s32 s5;
	_ =	sdelay $0x1  }
0xa2: {  	s24 =	simm.s32 $0x1B8B  }
0xa3: {  	_ =	swait.ge [sflag:s24], $0x1  }
0xa4: {  	[sflag:s24] =	ssyncset.done $0x0  }
0xa5: {  	s25 =	simm.s32 $0x1B8E;
	[sflag:s24] =	ssyncadd.s32 $0xFFFFFFFF  }
0xa6: {  	s26 =	simm.s32 $execute0_lowered;
	[smem:$0x3FD2] =	sst s25  }
0xa7: {  	s5 =	sshll.u32 s26, $0x1;
	_ =	strace $0x80000046;
	[dreg:$0x1] =	wrdreg $0xFFFFFFFF  }
0xa8: {  	s28 =	simm.s32 $_size_execute0_lowered;
	s4 =	sadd.s32 s4, s5;
	[dreg:$0x0] =	wrdreg $0x0  }
0xa9: {  	s5 =	sshll.u32 s28, $0x1;
	[dreg:$0x2] =	wrdreg s4  }
0xaa: {  	[dreg:$0x3] =	wrdreg s5  }
0xab: {  	[dreg:$0x4] =	wrdreg $0xC0  }
0xac: {  	_ =	task [dreg:s8], $0x5FFFF  }
0xad: {  	[dreg:$0x1] =	wrdreg $0xFFFFFFFF  }
0xae: {  	[dreg:$0x0] =	wrdreg $0x60  }
0xaf: {  	[dreg:$0x2] =	wrdreg s2  }
0xb0: {  	[dreg:$0x3] =	wrdreg s19  }
0xb1: {  	[dreg:$0x4] =	wrdreg $0x9  }
0xb2: {  	_ =	task.clear_ibuf [dreg:s8], $0x5FFFF;
	_ =	strace $0x90000046  }
0xb3: {  	s29 =	simm.s32 $0x9;
	_ =	strace $0x80000048  }
0xb4: {  	_ =	swait.ge [sflag:s29], $0x1  }
0xb5: {  	[sflag:s29] =	ssyncadd.s32 $0xFFFFFFFF  }
0xb6: {  	_ =	strace $0x90000048  }
0xb7: {  	_ =	sfence  }
0xb8: {  	s30 =	sld [smem:$0x0];
	_ =	sdelay $0x2  }
0xb9: {  	s31 =	sshll.u32 s1, $0xD;
	s1 =	sshrl.u32 s1, $0x2  }
0xba: {  	s3 =	sand.u32 $0x4000, s31;
	s1 =	sadd.s32 s1, s30  }
0xbb: {  	s0 =	sor.u32 s3, s0;
	s1 =	sshll.u32 s1, $0x11  }
0xbc: {  	s0 =	sor.u32 s1, s0  }
0xbd: {  	s0 =	sadd.s32 $0x8F2B, s0  }
0xbe: {  	[sflag:s0] =	ssyncadd.remote.s32 $0x1  }
0xbf: {  	_ =	sfence.sel $0xFFFF  }
0xc0: {  	[dreg:$0x0] =	wrdreg $0xFFFFFFFF;
	(pc) =	sbr.abs _section_cstart, $3  }
0xc1: {  	[dreg:$0x1] =	wrdreg $0xFFFFFFFF  }
0xc2: {  	_ =	task.clear_ibuf [dreg:s8], $0x2FFFF;
	_ =	strace $0x9FFFFFFF  }
0xc3: {  	(tm) =	ssettm $0x7FFFFFFF  }
tec
execute0_lowered:
.L_overlay_start_1:
0x0: {  	(tag) =	ssettag $0x1  }
0x1: {  	s0 =	srdreg.scid;
	s4 =	rddreg [dreg:$0x0]  }
0x2: {  	s5 =	rddreg [dreg:$0x1];
	s3 =	sand.u32 $0x1, s0  }
0x3: {  	s2 =	simm.s32 $0x0;
	s0 =	stileid.u32;
	s1 =	sshll.u32 s3, $0x4  }
0x4: {  	[smem:$0x7FF] =	sst s2;
	s8 =	sshll.u32 s0, $0x7;
	s6 =	sor.u32 s0, s1  }
0x5: {  	s3 =	ssub.s32 $0x2, s3;
	s7 =	sshrl.u32 s6, $0x3;
	s6 =	smul.u32 $0x4E2, s6  }
0x6: {  	s1 =	rddreg [dreg:$0x2];
	s9 =	sshrl.u32 s3, $0x1;
	s7 =	smul.u32 $0x13C00, s7  }
0x7: {  	s8 =	sand.u32 $0x380, s8;
	_ =	strace $0x80000047;
	s30 =	ssub.s32 s3, s9  }
0x8: {  	s9 =	simm.s32 $0x400;
	s3 =	sadd.s32 s4, s6;
	s7 =	sor.u32 s8, s7  }
0x9: {  	s6 =	simm.s32 $0x1;
	s8 =	simm.s32 $0x80;
	s31 =	sshrl.u32 s7, $0x3  }
0xa: {  	v0 =	vimm.f32 $0.0e+00;
	v1 =	vimm.f32 $1.000000000e+00;
	s7 =	simm.s32 $0x2780;
	s4 =	sadd.s32 s5, s31;
	s5 =	smax.u32 s30, $0x1  }
.LBB2_1:
0xb: {  	s10 =	simm.s32 $0x40;
	s11 =	simm.s32 $0x0  }
.LBB2_2:
0xc: {  	p0 =	sne.s32 s10, $0x9C00;
	[tilespmem:s11+$0x2780] =	vst v0;
	s11 =	smov.u32 s10;
	s10 =	sadd.s32 $0x40, s10  }
.Ltmp0:
0xd: {  	(pc) =	sbr.rel @p0 .LBB2_2-.Ltmp0, $2  }
0xe: {  	_ =	sdelay $0x2  }
0xf: {  	s11 =	sshra.s32 s11, $0x2  }
0x10: {  	[tilespmem:s11+$0x2780] =	vst v0;
	s10 =	simm.s32 $0x0  }
0x11: {  	[tilespmem:s10], [sflag:$0x1] =	stream.linear.gather [hbm4b:s3+s10], $0x2710, $0x38;
	[tilespmem:$0x4F00] =	vst v63  }
0x12: {  	_ =	swait.ge [sflag:s6], $0x2710  }
0x13: {  	[sflag:s6] =	ssyncset.done $0x0  }
0x14: {  	s11 =	simm.s32 $0x0;
	s10 =	simm.s32 $0x40;
	[sflag:s6] =	ssyncadd.s32 $0xFFFFD8F0  }
.LBB2_4:
0x15: {  	p0 =	sne.s32 s10, $0x9C00;
	v2 =	vld [tilespmem:s11+$0x0];
	_ =	sdelay $0x3  }
.Ltmp1:
0x16: {  	(pc) =	sbr.rel @p0 .LBB2_4-.Ltmp1, $2  }
0x17: {  	_ =	sdelay $0x2  }
0x18: {  	s11 =	sshra.s32 s10, $0x2;
	s10 =	sadd.s32 $0x40, s10;
	[tilespmem:v2+s7+$0x0] =	vst.idx.add.f32.msk $0xffff, v1  }
0x19: {  	v2 =	vld [tilespmem:s11+$0x0];
	_ =	sdelay $0x5  }
0x1a: {  	s2 =	sadd.s32 $0x1, s2  }
0x1b: {  	p0 =	sne.s32 s2, s5  }
.Ltmp2:
0x1c: {  	[tilespmem:v2+s7+$0x0] =	vst.idx.add.f32.msk $0xffff, v1;
	(pc) =	sbr.rel @p0 .LBB2_1-.Ltmp2, $4  }
0x1d: {  	[hbm4b:s4+s8] =	stream.strided.scatter [tilespmem:s7], [sflag:$0x1], $0x2780, s9, s8, $0x38;
	[tilespmem:$0x4F00] =	vst v63  }
0x1e: {  	_ =	swait.ge [sflag:s6], $0x2780  }
0x1f: {  	[sflag:s6] =	ssyncset.done $0x0  }
0x20: {  	[sflag:s6] =	ssyncadd.s32 $0xFFFFD880  }
0x21: {  	_ =	sfence.sel $0x180000  }
0x22: {  	[bflag:$0x0] =	sbarrier.arrive $0xFFFF  }
0x23: {  	p0 =	sne.s32 s0, $0x0;
	_ =	strace $0x90000047  }
0x24: {  	s0 =	sadd.s32 @!p0 $0x100000, s1;
	[bflag:$0x2] =	sbarrier.arrive $0xFFFF  }
0x25: {  	[sflag:s0] =	ssyncadd.tile.s32 @!p0 $0x1;
	_ =	shalt  }
.Lfunc_end2:
_tile_overlayer_lowered:
.L_overlay_start_2:
0x26: {  	(tag) =	ssettag $0x2  }
0x27: {  	s0 =	rddreg [dreg:$0x0];
	s2 =	stileid.u32  }
0x28: {  	s1 =	rddreg [dreg:$0x1];
	p0 =	sne.s32 s2, $0x0  }
0x29: {  	s3 =	rddreg [dreg:$0x2];
	[bflag:$0x3] =	sbarrier.arrive $0xFFFF;
	s2 =	simm.s32 @!p0 $0x1C01  }
0x2a: {  	[timem:s3], [sflag:s2] =	dma.local @!p0 [hbm:s0], s1  }
0x2b: {  	s0 =	simm.s32 @!p0 $0x1  }
0x2c: {  	_ =	swait.ge @!p0 [sflag:s0], s1  }
0x2d: {  	s1 =	ssub.s32 @!p0 $0x0, s1;
	[sflag:s0] =	ssyncset.done @!p0 $0x0  }
0x2e: {  	[sflag:s0] =	ssyncadd.s32 @!p0 s1  }
0x2f: {  	[bflag:$0x3] =	sbarrier.arrive $0xFFFF  }
0x30: {  	_ =	shalt  }

</sc_bundles>
